<compile_context>
chip_gen: v7x
topology: tpu7x:2x2x1
jax: 0.10.2.dev20260603
libtpu: 0.0.44.dev20260713+nightly
codegen_flags: <defaults>
</compile_context>

<pallas_src>
import jax
import jax.numpy as jnp
from jax.experimental import pallas as pl

_B, _C, _H, _W = 2, 96, 512, 512
_CP, _FP = 16, 8
_NHC, _NWC = _H // _CP, _W // _CP
_LC = _NHC * _NWC
_K = max(1, int(0.25 * _LC))
_BH = 16


def _score_kernel(x_ref, s_ref):
    xb = x_ref[0]
    t = jnp.sum(jnp.abs(xb), axis=(0, 1))[None, :]
    w_ids = jax.lax.broadcasted_iota(jnp.int32, (_W, _NWC), 0) // _CP
    c_ids = jax.lax.broadcasted_iota(jnp.int32, (_W, _NWC), 1)
    pool = (w_ids == c_ids).astype(jnp.float32)
    s_ref[0] = jnp.dot(t, pool, preferred_element_type=jnp.float32,
                       precision=jax.lax.Precision.HIGHEST)


def _mask_kernel(s_ref, m_ref):
    s = s_ref[0, 0][None, :]
    col = jnp.broadcast_to(s, (_LC, _LC))
    row = jnp.transpose(col)
    i_ids = jax.lax.broadcasted_iota(jnp.int32, (_LC, _LC), 0)
    j_ids = jax.lax.broadcasted_iota(jnp.int32, (_LC, _LC), 1)
    beats = (col > row) | ((col == row) & (j_ids < i_ids))
    rank = jnp.sum(beats.astype(jnp.int32), axis=1)[None, :]
    m_ref[0] = (rank < _K).astype(jnp.float32)


def _conv_kernel(x_ref, m_ref, w_ref, b_ref, o_ref):
    n = _BH * _W
    xflat = x_ref[0]

    pos = jax.lax.broadcasted_iota(jnp.int32, (1, n), 1)
    row8 = (pos // _W) % _FP
    col8 = pos % _FP

    shs = []
    for ky in range(3):
        dy = ky - 1
        for kx in range(3):
            dx = kx - 1
            shift = -(dy * _W + dx)
            sh = xflat
            valid = None
            if dy == -1:
                valid = row8 != 0
            elif dy == 1:
                valid = row8 != _FP - 1
            if dx == -1:
                v = col8 != 0
                valid = v if valid is None else (valid & v)
            elif dx == 1:
                v = col8 != _FP - 1
                valid = v if valid is None else (valid & v)
            if False:
                sh = sh * valid.astype(jnp.float32)
            shs.append(sh)
    stacked = jnp.concatenate(shs, axis=0)
    acc = jnp.dot(w_ref[0], stacked, preferred_element_type=jnp.float32)

    en = jnp.maximum(acc + b_ref[:, :1], 0.0)

    nP = (_BH // _CP) * _NWC
    m = m_ref[0]
    pid = (pos // (_W * _CP)) * _NWC + (pos % _W) // _CP
    j_ids = jax.lax.broadcasted_iota(jnp.int32, (nP, n), 0)
    expand = (jnp.broadcast_to(pid, (nP, n)) == j_ids).astype(jnp.float32)
    mfull = jnp.dot(m, expand, preferred_element_type=jnp.float32)

    o_ref[0] = jnp.where(mfull > 0.5, en, xflat)


def kernel(x, conv_w, conv_b):
    scores = pl.pallas_call(
        _score_kernel,
        grid=(_B, _NHC),
        in_specs=[pl.BlockSpec((1, _C, _CP, _W), lambda b, i: (b, 0, i, 0))],
        out_specs=pl.BlockSpec((1, 1, _NWC), lambda b, i: (b * _NHC + i, 0, 0)),
        out_shape=jax.ShapeDtypeStruct((_B * _NHC, 1, _NWC), jnp.float32),
    )(x)

    mask = pl.pallas_call(
        _mask_kernel,
        grid=(_B,),
        in_specs=[pl.BlockSpec((1, 1, _LC), lambda b: (b, 0, 0))],
        out_specs=pl.BlockSpec((1, 1, _LC), lambda b: (b, 0, 0)),
        out_shape=jax.ShapeDtypeStruct((_B, 1, _LC), jnp.float32),
    )(scores.reshape(_B, 1, _LC))

    nblk = _H // _BH
    npatch = (_BH // _CP) * _NWC
    mask3 = mask.reshape(_B * nblk, 1, npatch)
    wmats = conv_w.transpose(0, 2, 3, 1).reshape(1, _C, 9 * _C)
    bcol = conv_b.reshape(_C, 1)
    xflat = x.reshape(_B, _C, _H * _W)

    out = pl.pallas_call(
        _conv_kernel,
        grid=(_B, nblk),
        in_specs=[
            pl.BlockSpec((1, _C, _BH * _W), lambda b, i: (b, 0, i)),
            pl.BlockSpec((1, 1, npatch), lambda b, i: (b * nblk + i, 0, 0)),
            pl.BlockSpec((1, _C, 9 * _C), lambda b, i: (0, 0, 0)),
            pl.BlockSpec((_C, 1), lambda b, i: (0, 0)),
        ],
        out_specs=pl.BlockSpec((1, _C, _BH * _W), lambda b, i: (b, 0, i)),
        out_shape=jax.ShapeDtypeStruct((_B, _C, _H * _W), jnp.float32),
    )(xflat, mask3, wmats, bcol)
    return out.reshape(_B, _C, _H, _W)

# --- scband reference (transcript-rebuilt; emitter-appended) ---
"""Pipeline reference for scband-asm-fine-enhancement-71691594105134 (READ-ONLY COPY).

The authoritative reference and input builder live on the scoring server;
editing this copy changes nothing except your own understanding.
"""

import jax, jax.numpy as jnp
import numpy as np

B, CH, H0, W0 = 2, 96, 512, 512
CP, FP, ALPHA = 16, 8, 0.25

def setup_inputs(seed: int = 0) -> dict:
    key = jax.random.key(seed)
    k1, k2 = jax.random.split(key)
    x = jax.random.normal(k1, (B, CH, H0, W0), dtype=jnp.float32)
    conv_w = jax.random.normal(k2, (CH, CH, 3, 3), dtype=jnp.float32) * 0.05
    conv_b = jnp.zeros((CH,), dtype=jnp.float32)
    return {"x": x, "conv_w": conv_w, "conv_b": conv_b}

def _forward(x, conv_w, conv_b):
    Bb, C, h0, w0 = x.shape
    cp, fp = CP, FP
    pad_h = (cp - h0 % cp) % cp
    pad_w = (cp - w0 % cp) % cp
    x = jnp.pad(x, ((0, 0), (0, 0), (0, pad_h), (0, pad_w)))
    H = h0 + pad_h
    W = w0 + pad_w
    nHc, nWc = H // cp, W // cp
    Lc = nHc * nWc
    # coarse patches [B, Lc, C, cp, cp]
    coarse = x.reshape(Bb, C, nHc, cp, nWc, cp).transpose(0, 2, 4, 1, 3, 5).reshape(Bb, Lc, C, cp, cp)
    coarse_scores = jnp.mean(jnp.abs(coarse), axis=(2, 3, 4))  # [B, Lc]
    k = max(1, int(ALPHA * Lc))
    _, top_coarse_idx = jax.lax.top_k(coarse_scores, k)  # [B, k]
    nHf, nWf = H // fp, W // fp
    Lf = nHf * nWf
    fine = x.reshape(Bb, C, nHf, fp, nWf, fp).transpose(0, 2, 4, 1, 3, 5).reshape(Bb, Lf, C, fp, fp)
    r = top_coarse_idx // nWc
    c = top_coarse_idx % nWc
    i1 = 2 * r * nWf + 2 * c
    i2 = 2 * r * nWf + (2 * c + 1)
    i3 = (2 * r + 1) * nWf + 2 * c
    i4 = (2 * r + 1) * nWf + (2 * c + 1)
    fine_indices = jnp.concatenate([i1, i2, i3, i4], axis=1)  # [B, 4k]
    M = fine_indices.shape[1]
    offset = jnp.arange(Bb, dtype=fine_indices.dtype)[:, None] * Lf
    flat_idx = (fine_indices + offset).reshape(-1)
    fine_flat = fine.reshape(Bb * Lf, C, fp, fp)
    selected = fine_flat[flat_idx]  # [B*M, C, fp, fp] -- gather
    enhanced = jax.lax.conv_general_dilated(
        selected, conv_w, window_strides=(1, 1), padding=((1, 1), (1, 1)),
        dimension_numbers=("NCHW", "OIHW", "NCHW"))
    enhanced = enhanced + conv_b[None, :, None, None]
    enhanced = jax.nn.relu(enhanced)
    fine_flat = fine_flat.at[flat_idx].set(enhanced)  # scatter-overwrite
    out = fine_flat.reshape(Bb, nHf, nWf, C, fp, fp).transpose(0, 3, 1, 4, 2, 5).reshape(Bb, C, nHf * fp, nWf * fp)
    return out[:, :, :h0, :w0]

def reference(x, conv_w, conv_b):
    return _forward(x, conv_w, conv_b)

if __name__ == "__main__":
    import jax
    _d = setup_inputs()
    print(jax.jit(kernel)(*tuple(_d.values())))

</pallas_src>

<mosaic_0001>
module attributes {stable_mosaic.version = 14 : i64} {
  func.func @_mask_kernel(%arg0: i32, %arg1: memref<1x1x1024xf32, #tpu.memory_space<vmem>>, %arg2: memref<1x1x1024xf32, #tpu.memory_space<vmem>>) attributes {dimension_semantics = [#tpu.dimension_semantics<arbitrary>], iteration_bounds = array<i64: 2>, scalar_prefetch = 0 : i64, scratch_operands = 0 : i64, tpu.core_type = #tpu.core_type<tc>, window_params = [{transform_indices = @transform_0, window_bounds = array<i64: 1, 1, 1024>}, {transform_indices = @transform_1, window_bounds = array<i64: 1, 1, 1024>}]} {
    %get3A = arith.constant 0 : index
    %get3A_0 = arith.constant 0 : index
    %get3A_1 = arith.constant 0 : index
    %get3A_2 = vector.load %arg1[%get3A, %get3A_0, %get3A_1] : memref<1x1x1024xf32, #tpu.memory_space<vmem>>, vector<1x1x1024xf32>
    %get3A_3 = vector.shape_cast %get3A_2 : vector<1x1x1024xf32> to vector<1024xf32>
    %broadcast_in_dim3A = vector.shape_cast %get3A_3 : vector<1024xf32> to vector<1x1024xf32>
    %broadcast_in_dim3A_4 = vector.shape_cast %broadcast_in_dim3A : vector<1x1024xf32> to vector<1x1024xf32>
    %broadcast_in_dim3A_5 = vector.broadcast %broadcast_in_dim3A_4 : vector<1x1024xf32> to vector<1024x1024xf32>
    %transpose3A = tpu.transpose %broadcast_in_dim3A_5, [1, 0] : vector<1024x1024xf32> -> vector<1024x1024xf32>
    %iota3A = tpu.iota {dimensions = array<i32: 0>} : vector<1024x1024xi32>
    %iota3A_6 = tpu.iota {dimensions = array<i32: 1>} : vector<1024x1024xi32>
    %gt3A = arith.cmpf ogt, %broadcast_in_dim3A_5, %transpose3A : vector<1024x1024xf32>
    %eq3A = arith.cmpf oeq, %broadcast_in_dim3A_5, %transpose3A : vector<1024x1024xf32>
    %lt3A = arith.cmpi slt, %iota3A_6, %iota3A : vector<1024x1024xi32>
    %and3A = arith.andi %eq3A, %lt3A : vector<1024x1024xi1>
    %or3A = arith.ori %gt3A, %and3A : vector<1024x1024xi1>
    %convert_element_type3A = arith.extui %or3A : vector<1024x1024xi1> to vector<1024x1024xi32>
    %reduce_sum3A = arith.constant dense<0> : vector<1024xi32>
    %reduce_sum3A_7 = vector.multi_reduction <add>, %convert_element_type3A, %reduce_sum3A [1] : vector<1024x1024xi32> to vector<1024xi32>
    %broadcast_in_dim3A_8 = vector.shape_cast %reduce_sum3A_7 : vector<1024xi32> to vector<1x1024xi32>
    %lt3A_9 = arith.constant 256 : i32
    %lt3A_10 = vector.broadcast %lt3A_9 : i32 to vector<1x1024xi32>
    %lt3A_11 = arith.cmpi slt, %broadcast_in_dim3A_8, %lt3A_10 : vector<1x1024xi32>
    %convert_element_type3A_12 = arith.extui %lt3A_11 : vector<1x1024xi1> to vector<1x1024xi32>
    %convert_element_type3A_13 = arith.sitofp %convert_element_type3A_12 : vector<1x1024xi32> to vector<1x1024xf32>
    %swap3A = arith.constant 0 : index
    %swap3A_14 = arith.constant 0 : index
    %swap3A_15 = arith.constant 0 : index
    %swap3A_16 = vector.load %arg2[%swap3A, %swap3A_14, %swap3A_15] : memref<1x1x1024xf32, #tpu.memory_space<vmem>>, vector<1x1x1024xf32>
    %swap3A_17 = vector.shape_cast %swap3A_16 : vector<1x1x1024xf32> to vector<1x1024xf32>
    %swap3A_18 = vector.shape_cast %convert_element_type3A_13 : vector<1x1024xf32> to vector<1x1x1024xf32>
    tpu.vector_store %arg2[%swap3A, %swap3A_14, %swap3A_15], %swap3A_18 {strides = array<i32>} : memref<1x1x1024xf32, #tpu.memory_space<vmem>>, vector<1x1x1024xf32>,
    return
  }
  func.func @transform_0(%arg0: i32) -> (i32, i32, i32) {
    %c0_i32 = arith.constant 0 : i32
    %c0_i32_0 = arith.constant 0 : i32
    %c0_i32_1 = arith.constant 0 : i32
    return %arg0, %c0_i32, %c0_i32_0 : i32, i32, i32
  }
  func.func @transform_1(%arg0: i32) -> (i32, i32, i32) {
    %c0_i32 = arith.constant 0 : i32
    %c0_i32_0 = arith.constant 0 : i32
    %c0_i32_1 = arith.constant 0 : i32
    return %arg0, %c0_i32, %c0_i32_0 : i32, i32, i32
  }
}

module attributes {stable_mosaic.version = 14 : i64} {
  func.func @_score_kernel(%arg0: i32, %arg1: i32, %arg2: memref<1x96x16x512xf32, #tpu.memory_space<vmem>>, %arg3: memref<1x1x32xf32, #tpu.memory_space<vmem>>) attributes {dimension_semantics = [#tpu.dimension_semantics<arbitrary>, #tpu.dimension_semantics<arbitrary>], iteration_bounds = array<i64: 2, 32>, scalar_prefetch = 0 : i64, scratch_operands = 0 : i64, tpu.core_type = #tpu.core_type<tc>, window_params = [{transform_indices = @transform_0, window_bounds = array<i64: 1, 96, 16, 512>}, {transform_indices = @transform_1, window_bounds = array<i64: 1, 1, 32>}]} {
    %get3A = arith.constant 0 : index
    %get3A_0 = arith.constant 0 : index
    %get3A_1 = arith.constant 0 : index
    %get3A_2 = arith.constant 0 : index
    %get3A_3 = vector.load %arg2[%get3A, %get3A_0, %get3A_1, %get3A_2] : memref<1x96x16x512xf32, #tpu.memory_space<vmem>>, vector<1x96x16x512xf32>
    %get3A_4 = vector.shape_cast %get3A_3 : vector<1x96x16x512xf32> to vector<96x16x512xf32>
    %abs3A = math.absf %get3A_4 : vector<96x16x512xf32>
    %reduce_sum3A = arith.constant dense<0.000000e+00> : vector<512xf32>
    %reduce_sum3A_5 = vector.multi_reduction <add>, %abs3A, %reduce_sum3A [0, 1] : vector<96x16x512xf32> to vector<512xf32>
    %broadcast_in_dim3A = vector.shape_cast %reduce_sum3A_5 : vector<512xf32> to vector<1x512xf32>
    %iota3A = tpu.iota {dimensions = array<i32: 0>} : vector<512x32xi32>
    %jit3A = arith.constant 16 : i32
    %div3A = vector.broadcast %jit3A : i32 to vector<512x32xi32>
    %div3A_6 = arith.divsi %iota3A, %div3A : vector<512x32xi32>
    %sign3A = arith.constant 0 : i32
    %sign3A_7 = vector.broadcast %sign3A : i32 to vector<512x32xi32>
    %sign3A_8 = arith.cmpi sgt, %iota3A, %sign3A_7 : vector<512x32xi32>
    %sign3A_9 = arith.extui %sign3A_8 : vector<512x32xi1> to vector<512x32xi32>
    %sign3A_10 = arith.constant 0 : i32
    %sign3A_11 = vector.broadcast %sign3A_10 : i32 to vector<512x32xi32>
    %sign3A_12 = arith.cmpi slt, %iota3A, %sign3A_11 : vector<512x32xi32>
    %sign3A_13 = arith.extui %sign3A_12 : vector<512x32xi1> to vector<512x32xi32>
    %sign3A_14 = arith.subi %sign3A_9, %sign3A_13 : vector<512x32xi32>
    %sign3A_15 = arith.constant 0 : i32
    %sign3A_16 = arith.cmpi sgt, %jit3A, %sign3A_15 : i32
    %sign3A_17 = arith.extui %sign3A_16 : i1 to i32
    %sign3A_18 = arith.constant 0 : i32
    %sign3A_19 = arith.cmpi slt, %jit3A, %sign3A_18 : i32
    %sign3A_20 = arith.extui %sign3A_19 : i1 to i32
    %sign3A_21 = arith.subi %sign3A_17, %sign3A_20 : i32
    %ne3A = vector.broadcast %sign3A_21 : i32 to vector<512x32xi32>
    %ne3A_22 = arith.cmpi ne, %sign3A_14, %ne3A : vector<512x32xi32>
    %rem3A = vector.broadcast %jit3A : i32 to vector<512x32xi32>
    %rem3A_23 = arith.remsi %iota3A, %rem3A : vector<512x32xi32>
    %ne3A_24 = arith.constant 0 : i32
    %ne3A_25 = vector.broadcast %ne3A_24 : i32 to vector<512x32xi32>
    %ne3A_26 = arith.cmpi ne, %rem3A_23, %ne3A_25 : vector<512x32xi32>
    %and3A = arith.andi %ne3A_22, %ne3A_26 : vector<512x32xi1>
    %sub3A = arith.constant 1 : i32
    %sub3A_27 = vector.broadcast %sub3A : i32 to vector<512x32xi32>
    %sub3A_28 = arith.subi %div3A_6, %sub3A_27 : vector<512x32xi32>
    %select_n3A = arith.select %and3A, %sub3A_28, %div3A_6 : vector<512x32xi1>, vector<512x32xi32>
    %iota3A_29 = tpu.iota {dimensions = array<i32: 1>} : vector<512x32xi32>
    %eq3A = arith.cmpi eq, %select_n3A, %iota3A_29 : vector<512x32xi32>
    %convert_element_type3A = arith.extui %eq3A : vector<512x32xi1> to vector<512x32xi32>
    %convert_element_type3A_30 = arith.sitofp %convert_element_type3A : vector<512x32xi32> to vector<512x32xf32>
    %dot_general3A = arith.constant dense<0.000000e+00> : vector<1x32xf32>
    %dot_general3A_31 = tpu.matmul %broadcast_in_dim3A, %convert_element_type3A_30, %dot_general3A {dimension_numbers = #tpu.dot_dimension_numbers<[1], [0], [0], [1], [0, 0, 1, 1], [], []>, precision = #tpu.contract_precision<fp32>, transpose_lhs_hint = false} : vector<1x512xf32>, vector<512x32xf32>, vector<1x32xf32> -> vector<1x32xf32>
    %swap3A = arith.constant 0 : index
    %swap3A_32 = arith.constant 0 : index
    %swap3A_33 = arith.constant 0 : index
    %swap3A_34 = vector.load %arg3[%swap3A, %swap3A_32, %swap3A_33] : memref<1x1x32xf32, #tpu.memory_space<vmem>>, vector<1x1x32xf32>
    %swap3A_35 = vector.shape_cast %swap3A_34 : vector<1x1x32xf32> to vector<1x32xf32>
    %swap3A_36 = vector.shape_cast %dot_general3A_31 : vector<1x32xf32> to vector<1x1x32xf32>
    tpu.vector_store %arg3[%swap3A, %swap3A_32, %swap3A_33], %swap3A_36 {strides = array<i32>} : memref<1x1x32xf32, #tpu.memory_space<vmem>>, vector<1x1x32xf32>,
    return
  }
  func.func @transform_0(%arg0: i32, %arg1: i32) -> (i32, i32, i32, i32) {
    %c0_i32 = arith.constant 0 : i32
    %c0_i32_0 = arith.constant 0 : i32
    %c0_i32_1 = arith.constant 0 : i32
    return %arg0, %c0_i32, %arg1, %c0_i32_0 : i32, i32, i32, i32
  }
  func.func @transform_1(%arg0: i32, %arg1: i32) -> (i32, i32, i32) {
    %mul3A = arith.constant 32 : i32
    %mul3A_0 = arith.muli %arg0, %mul3A : i32
    %add3A = arith.addi %mul3A_0, %arg1 : i32
    %c0_i32 = arith.constant 0 : i32
    %c0_i32_1 = arith.constant 0 : i32
    %c0_i32_2 = arith.constant 0 : i32
    return %add3A, %c0_i32, %c0_i32_1 : i32, i32, i32
  }
}

module attributes {stable_mosaic.version = 14 : i64} {
  func.func @_conv_kernel(%arg0: i32, %arg1: i32, %arg2: memref<1x96x8192xf32, #tpu.memory_space<vmem>>, %arg3: memref<1x1x32xf32, #tpu.memory_space<vmem>>, %arg4: memref<1x96x864xf32, #tpu.memory_space<vmem>>, %arg5: memref<96x1xf32, #tpu.memory_space<vmem>>, %arg6: memref<1x96x8192xf32, #tpu.memory_space<vmem>>) attributes {dimension_semantics = [#tpu.dimension_semantics<arbitrary>, #tpu.dimension_semantics<arbitrary>], iteration_bounds = array<i64: 2, 32>, scalar_prefetch = 0 : i64, scratch_operands = 0 : i64, tpu.core_type = #tpu.core_type<tc>, window_params = [{transform_indices = @transform_0, window_bounds = array<i64: 1, 96, 8192>}, {transform_indices = @transform_1, window_bounds = array<i64: 1, 1, 32>}, {pipeline_mode = #tpu.pipeline_mode<synchronous>, transform_indices = @transform_2, window_bounds = array<i64: 1, 96, 864>}, {pipeline_mode = #tpu.pipeline_mode<synchronous>, transform_indices = @transform_3, window_bounds = array<i64: 96, 1>}, {transform_indices = @transform_4, window_bounds = array<i64: 1, 96, 8192>}]} {
    %get3A = arith.constant 0 : index
    %get3A_0 = arith.constant 0 : index
    %get3A_1 = arith.constant 0 : index
    %get3A_2 = vector.load %arg2[%get3A, %get3A_0, %get3A_1] : memref<1x96x8192xf32, #tpu.memory_space<vmem>>, vector<1x96x8192xf32>
    %get3A_3 = vector.shape_cast %get3A_2 : vector<1x96x8192xf32> to vector<96x8192xf32>
    %iota3A = tpu.iota {dimensions = array<i32: 1>} : vector<1x8192xi32>
    %concatenate3A = tpu.concatenate %get3A_3, %get3A_3, %get3A_3, %get3A_3, %get3A_3, %get3A_3, %get3A_3, %get3A_3, %get3A_3 in 0 : vector<96x8192xf32>, vector<96x8192xf32>, vector<96x8192xf32>, vector<96x8192xf32>, vector<96x8192xf32>, vector<96x8192xf32>, vector<96x8192xf32>, vector<96x8192xf32>, vector<96x8192xf32> -> vector<864x8192xf32>
    %get3A_4 = arith.constant 0 : index
    %get3A_5 = arith.constant 0 : index
    %get3A_6 = arith.constant 0 : index
    %get3A_7 = vector.load %arg4[%get3A_4, %get3A_5, %get3A_6] : memref<1x96x864xf32, #tpu.memory_space<vmem>>, vector<1x96x864xf32>
    %get3A_8 = vector.shape_cast %get3A_7 : vector<1x96x864xf32> to vector<96x864xf32>
    %dot_general3A = arith.constant dense<0.000000e+00> : vector<96x8192xf32>
    %dot_general3A_9 = tpu.matmul %get3A_8, %concatenate3A, %dot_general3A {dimension_numbers = #tpu.dot_dimension_numbers<[1], [0], [0], [1], [0, 0, 1, 1], [], []>, transpose_lhs_hint = false} : vector<96x864xf32>, vector<864x8192xf32>, vector<96x8192xf32> -> vector<96x8192xf32>
    %get3A_10 = arith.constant 0 : index
    %get3A_11 = arith.constant 0 : index
    %get3A_12 = vector.load %arg5[%get3A_10, %get3A_11] : memref<96x1xf32, #tpu.memory_space<vmem>>, vector<96x1xf32>
    %add3A = vector.broadcast %get3A_12 : vector<96x1xf32> to vector<96x8192xf32>
    %add3A_13 = arith.addf %dot_general3A_9, %add3A : vector<96x8192xf32>
    %max3A = arith.constant 0.000000e+00 : f32
    %max3A_14 = vector.broadcast %max3A : f32 to vector<96x8192xf32>
    %max3A_15 = arith.maximumf %add3A_13, %max3A_14 : vector<96x8192xf32>
    %get3A_16 = arith.constant 0 : index
    %get3A_17 = arith.constant 0 : index
    %get3A_18 = arith.constant 0 : index
    %get3A_19 = vector.load %arg3[%get3A_16, %get3A_17, %get3A_18] : memref<1x1x32xf32, #tpu.memory_space<vmem>>, vector<1x1x32xf32>
    %get3A_20 = vector.shape_cast %get3A_19 : vector<1x1x32xf32> to vector<1x32xf32>
    %jit3A = arith.constant 8192 : i32
    %div3A = vector.broadcast %jit3A : i32 to vector<1x8192xi32>
    %div3A_21 = arith.divsi %iota3A, %div3A : vector<1x8192xi32>
    %sign3A = arith.constant 0 : i32
    %sign3A_22 = vector.broadcast %sign3A : i32 to vector<1x8192xi32>
    %sign3A_23 = arith.cmpi sgt, %iota3A, %sign3A_22 : vector<1x8192xi32>
    %sign3A_24 = arith.extui %sign3A_23 : vector<1x8192xi1> to vector<1x8192xi32>
    %sign3A_25 = arith.constant 0 : i32
    %sign3A_26 = vector.broadcast %sign3A_25 : i32 to vector<1x8192xi32>
    %sign3A_27 = arith.cmpi slt, %iota3A, %sign3A_26 : vector<1x8192xi32>
    %sign3A_28 = arith.extui %sign3A_27 : vector<1x8192xi1> to vector<1x8192xi32>
    %sign3A_29 = arith.subi %sign3A_24, %sign3A_28 : vector<1x8192xi32>
    %sign3A_30 = arith.constant 0 : i32
    %sign3A_31 = arith.cmpi sgt, %jit3A, %sign3A_30 : i32
    %sign3A_32 = arith.extui %sign3A_31 : i1 to i32
    %sign3A_33 = arith.constant 0 : i32
    %sign3A_34 = arith.cmpi slt, %jit3A, %sign3A_33 : i32
    %sign3A_35 = arith.extui %sign3A_34 : i1 to i32
    %sign3A_36 = arith.subi %sign3A_32, %sign3A_35 : i32
    %ne3A = vector.broadcast %sign3A_36 : i32 to vector<1x8192xi32>
    %ne3A_37 = arith.cmpi ne, %sign3A_29, %ne3A : vector<1x8192xi32>
    %rem3A = vector.broadcast %jit3A : i32 to vector<1x8192xi32>
    %rem3A_38 = arith.remsi %iota3A, %rem3A : vector<1x8192xi32>
    %ne3A_39 = arith.constant 0 : i32
    %ne3A_40 = vector.broadcast %ne3A_39 : i32 to vector<1x8192xi32>
    %ne3A_41 = arith.cmpi ne, %rem3A_38, %ne3A_40 : vector<1x8192xi32>
    %and3A = arith.andi %ne3A_37, %ne3A_41 : vector<1x8192xi1>
    %sub3A = arith.constant 1 : i32
    %sub3A_42 = vector.broadcast %sub3A : i32 to vector<1x8192xi32>
    %sub3A_43 = arith.subi %div3A_21, %sub3A_42 : vector<1x8192xi32>
    %select_n3A = arith.select %and3A, %sub3A_43, %div3A_21 : vector<1x8192xi1>, vector<1x8192xi32>
    %mul3A = arith.constant 32 : i32
    %mul3A_44 = vector.broadcast %mul3A : i32 to vector<1x8192xi32>
    %mul3A_45 = arith.muli %select_n3A, %mul3A_44 : vector<1x8192xi32>
    %jit3A_46 = arith.constant 512 : i32
    %eq3A = arith.constant 0 : i32
    %eq3A_47 = arith.cmpi eq, %jit3A_46, %eq3A : i32
    %jit3A_48 = arith.constant 1 : i32
    %select_n3A_49 = arith.select %eq3A_47, %jit3A_48, %jit3A_46 : i32
    %rem3A_50 = vector.broadcast %select_n3A_49 : i32 to vector<1x8192xi32>
    %rem3A_51 = arith.remsi %iota3A, %rem3A_50 : vector<1x8192xi32>
    %ne3A_52 = arith.constant 0 : i32
    %ne3A_53 = vector.broadcast %ne3A_52 : i32 to vector<1x8192xi32>
    %ne3A_54 = arith.cmpi ne, %rem3A_51, %ne3A_53 : vector<1x8192xi32>
    %lt3A = arith.constant 0 : i32
    %lt3A_55 = vector.broadcast %lt3A : i32 to vector<1x8192xi32>
    %lt3A_56 = arith.cmpi slt, %rem3A_51, %lt3A_55 : vector<1x8192xi32>
    %lt3A_57 = arith.constant 0 : i32
    %lt3A_58 = arith.cmpi slt, %select_n3A_49, %lt3A_57 : i32
    %ne3A_59 = vector.broadcast %lt3A_58 : i1 to vector<1x8192xi1>
    %ne3A_60 = vector.broadcast %ne3A_59 : vector<1x8192xi1> to vector<1x8192xi1>
    %ne3A_61 = arith.xori %lt3A_56, %ne3A_60 : vector<1x8192xi1>
    %and3A_62 = arith.andi %ne3A_61, %ne3A_54 : vector<1x8192xi1>
    %add3A_63 = vector.broadcast %select_n3A_49 : i32 to vector<1x8192xi32>
    %add3A_64 = arith.addi %rem3A_51, %add3A_63 : vector<1x8192xi32>
    %select_n3A_65 = arith.select %and3A_62, %add3A_64, %rem3A_51 : vector<1x8192xi1>, vector<1x8192xi32>
    %jit3A_66 = arith.constant 16 : i32
    %div3A_67 = vector.broadcast %jit3A_66 : i32 to vector<1x8192xi32>
    %div3A_68 = arith.divsi %select_n3A_65, %div3A_67 : vector<1x8192xi32>
    %sign3A_69 = arith.constant 0 : i32
    %sign3A_70 = vector.broadcast %sign3A_69 : i32 to vector<1x8192xi32>
    %sign3A_71 = arith.cmpi sgt, %select_n3A_65, %sign3A_70 : vector<1x8192xi32>
    %sign3A_72 = arith.extui %sign3A_71 : vector<1x8192xi1> to vector<1x8192xi32>
    %sign3A_73 = arith.constant 0 : i32
    %sign3A_74 = vector.broadcast %sign3A_73 : i32 to vector<1x8192xi32>
    %sign3A_75 = arith.cmpi slt, %select_n3A_65, %sign3A_74 : vector<1x8192xi32>
    %sign3A_76 = arith.extui %sign3A_75 : vector<1x8192xi1> to vector<1x8192xi32>
    %sign3A_77 = arith.subi %sign3A_72, %sign3A_76 : vector<1x8192xi32>
    %sign3A_78 = arith.constant 0 : i32
    %sign3A_79 = arith.cmpi sgt, %jit3A_66, %sign3A_78 : i32
    %sign3A_80 = arith.extui %sign3A_79 : i1 to i32
    %sign3A_81 = arith.constant 0 : i32
    %sign3A_82 = arith.cmpi slt, %jit3A_66, %sign3A_81 : i32
    %sign3A_83 = arith.extui %sign3A_82 : i1 to i32
    %sign3A_84 = arith.subi %sign3A_80, %sign3A_83 : i32
    %ne3A_85 = vector.broadcast %sign3A_84 : i32 to vector<1x8192xi32>
    %ne3A_86 = arith.cmpi ne, %sign3A_77, %ne3A_85 : vector<1x8192xi32>
    %rem3A_87 = vector.broadcast %jit3A_66 : i32 to vector<1x8192xi32>
    %rem3A_88 = arith.remsi %select_n3A_65, %rem3A_87 : vector<1x8192xi32>
    %ne3A_89 = arith.constant 0 : i32
    %ne3A_90 = vector.broadcast %ne3A_89 : i32 to vector<1x8192xi32>
    %ne3A_91 = arith.cmpi ne, %rem3A_88, %ne3A_90 : vector<1x8192xi32>
    %and3A_92 = arith.andi %ne3A_86, %ne3A_91 : vector<1x8192xi1>
    %sub3A_93 = arith.constant 1 : i32
    %sub3A_94 = vector.broadcast %sub3A_93 : i32 to vector<1x8192xi32>
    %sub3A_95 = arith.subi %div3A_68, %sub3A_94 : vector<1x8192xi32>
    %select_n3A_96 = arith.select %and3A_92, %sub3A_95, %div3A_68 : vector<1x8192xi1>, vector<1x8192xi32>
    %add3A_97 = arith.addi %mul3A_45, %select_n3A_96 : vector<1x8192xi32>
    %iota3A_98 = tpu.iota {dimensions = array<i32: 0>} : vector<32x8192xi32>
    %broadcast_in_dim3A = vector.shape_cast %add3A_97 : vector<1x8192xi32> to vector<1x8192xi32>
    %broadcast_in_dim3A_99 = vector.broadcast %broadcast_in_dim3A : vector<1x8192xi32> to vector<32x8192xi32>
    %eq3A_100 = arith.cmpi eq, %broadcast_in_dim3A_99, %iota3A_98 : vector<32x8192xi32>
    %convert_element_type3A = arith.extui %eq3A_100 : vector<32x8192xi1> to vector<32x8192xi32>
    %convert_element_type3A_101 = arith.sitofp %convert_element_type3A : vector<32x8192xi32> to vector<32x8192xf32>
    %dot_general3A_102 = arith.constant dense<0.000000e+00> : vector<1x8192xf32>
    %dot_general3A_103 = tpu.matmul %get3A_20, %convert_element_type3A_101, %dot_general3A_102 {dimension_numbers = #tpu.dot_dimension_numbers<[1], [0], [0], [1], [0, 0, 1, 1], [], []>, transpose_lhs_hint = false} : vector<1x32xf32>, vector<32x8192xf32>, vector<1x8192xf32> -> vector<1x8192xf32>
    %gt3A = arith.constant 5.000000e-01 : f32
    %gt3A_104 = vector.broadcast %gt3A : f32 to vector<1x8192xf32>
    %gt3A_105 = arith.cmpf ogt, %dot_general3A_103, %gt3A_104 : vector<1x8192xf32>
    %broadcast_in_dim3A_106 = vector.shape_cast %gt3A_105 : vector<1x8192xi1> to vector<1x8192xi1>
    %broadcast_in_dim3A_107 = vector.broadcast %broadcast_in_dim3A_106 : vector<1x8192xi1> to vector<96x8192xi1>
    %select_n3A_108 = arith.select %broadcast_in_dim3A_107, %max3A_15, %get3A_3 : vector<96x8192xi1>, vector<96x8192xf32>
    %swap3A = arith.constant 0 : index
    %swap3A_109 = arith.constant 0 : index
    %swap3A_110 = arith.constant 0 : index
    %swap3A_111 = vector.load %arg6[%swap3A, %swap3A_109, %swap3A_110] : memref<1x96x8192xf32, #tpu.memory_space<vmem>>, vector<1x96x8192xf32>
    %swap3A_112 = vector.shape_cast %swap3A_111 : vector<1x96x8192xf32> to vector<96x8192xf32>
    %swap3A_113 = vector.shape_cast %select_n3A_108 : vector<96x8192xf32> to vector<1x96x8192xf32>
    tpu.vector_store %arg6[%swap3A, %swap3A_109, %swap3A_110], %swap3A_113 {strides = array<i32>} : memref<1x96x8192xf32, #tpu.memory_space<vmem>>, vector<1x96x8192xf32>,
    return
  }
  func.func @transform_0(%arg0: i32, %arg1: i32) -> (i32, i32, i32) {
    %c0_i32 = arith.constant 0 : i32
    %c0_i32_0 = arith.constant 0 : i32
    return %arg0, %c0_i32, %arg1 : i32, i32, i32
  }
  func.func @transform_1(%arg0: i32, %arg1: i32) -> (i32, i32, i32) {
    %mul3A = arith.constant 32 : i32
    %mul3A_0 = arith.muli %arg0, %mul3A : i32
    %add3A = arith.addi %mul3A_0, %arg1 : i32
    %c0_i32 = arith.constant 0 : i32
    %c0_i32_1 = arith.constant 0 : i32
    %c0_i32_2 = arith.constant 0 : i32
    return %add3A, %c0_i32, %c0_i32_1 : i32, i32, i32
  }
  func.func @transform_2(%arg0: i32, %arg1: i32) -> (i32, i32, i32) {
    %c0_i32 = arith.constant 0 : i32
    %c0_i32_0 = arith.constant 0 : i32
    %c0_i32_1 = arith.constant 0 : i32
    %c0_i32_2 = arith.constant 0 : i32
    return %c0_i32, %c0_i32_0, %c0_i32_1 : i32, i32, i32
  }
  func.func @transform_3(%arg0: i32, %arg1: i32) -> (i32, i32) {
    %c0_i32 = arith.constant 0 : i32
    %c0_i32_0 = arith.constant 0 : i32
    %c0_i32_1 = arith.constant 0 : i32
    return %c0_i32, %c0_i32_0 : i32, i32
  }
  func.func @transform_4(%arg0: i32, %arg1: i32) -> (i32, i32, i32) {
    %c0_i32 = arith.constant 0 : i32
    %c0_i32_0 = arith.constant 0 : i32
    return %arg0, %c0_i32, %arg1 : i32, i32, i32
  }
}

</mosaic_0001>

<sc_bundles>
// kernel: sparse-core-data-format-call.cloned.1.call-start
scs
called_computation_lowered:
.L_overlay_start_0:
0x0: {  	s2 =	sld [smem:$0x3FD9]  }
0x1: {  	s3 =	sld [smem:$0x3FFE];
	_ =	sdelay $0x1  }
0x2: {  	s1 =	srdreg.scid  }
0x3: {  	s0 =	sand.u32 $0x1, s1  }
0x4: {  	s18 =	sshll.u32 s0, $0xA;
	s2 =	sadd.s32 s3, s2  }
0x5: {  	s2 =	sadd.s32 s2, s18  }
0x6: {  	[smem:$0x3FC5] =	sst s2  }
0x7: {  	_ = 	snop  }
0x8: {  	s2 =	sld [smem:$0x3FD0];
	(tm) =	ssettm $0x1  }
0x9: {  	s19 =	sld [smem:$0x3FFB];
	_ =	sdelay $0x3  }
0xa: {  	_ =	strace s19  }
0xb: {  	s3 =	sld [smem:$0x3FFC];
	_ =	sdelay $0x3  }
0xc: {  	_ =	strace s3  }
0xd: {  	s3 =	sld [smem:$0x3FFD];
	_ =	sdelay $0x3  }
0xe: {  	_ =	strace s3  }
0xf: {  	_ =	strace $0x8FFFFFFF  }
0x10: {  	s20 =	sld [smem:$0x3FDB];
	_ =	sdelay $0x1  }
0x11: {  	s4 =	simm.s32 $_scs_section_size  }
0x12: {  	s5 =	simm.s32 $_size__tile_overlayer_lowered;
	s6 =	simm.s32 $_tile_overlayer_lowered  }
0x13: {  	s23 =	simm.s32 $0x1BFF;
	s22 =	sshll.u32 s6, $0x1;
	s3 =	sadd.s32 s4, s20  }
0x14: {  	s7 =	simm.s32 $0x0;
	s21 =	sshll.u32 s5, $0x1;
	s5 =	sadd.s32 s22, s3  }
0x15: {  	[timem:s7], [sflag:s23] =	dma.local [hbm:s5], s21  }
0x16: {  	_ =	swait.ge [sflag:s23], s21  }
0x17: {  	s4 =	ssub.s32 $0x0, s21;
	[sflag:s23] =	ssyncset.done $0x0  }
0x18: {  	[sflag:s23] =	ssyncadd.s32 s4;
	_ =	sdelay $0x1  }
0x19: {  	s24 =	simm.s32 $0x1B8B  }
0x1a: {  	_ =	swait.ge [sflag:s24], $0x1  }
0x1b: {  	[sflag:s24] =	ssyncset.done $0x0  }
0x1c: {  	s26 =	simm.s32 $0x1B8E;
	s25 =	sld [smem:$0x3FFE];
	[sflag:s24] =	ssyncadd.s32 $0xFFFFFFFF  }
0x1d: {  	s27 =	simm.s32 $execute0_lowered;
	[smem:$0x3FD2] =	sst s26  }
0x1e: {  	s5 =	sshll.u32 s27, $0x1;
	_ =	strace $0x80000046;
	[dreg:$0x1] =	wrdreg $0xFFFFFFFF  }
0x1f: {  	s28 =	simm.s32 $_size_execute0_lowered;
	s3 =	sadd.s32 s3, s5;
	[dreg:$0x0] =	wrdreg $0x0  }
0x20: {  	s5 =	sshll.u32 s28, $0x1;
	[dreg:$0x2] =	wrdreg s3  }
0x21: {  	[dreg:$0x3] =	wrdreg s5  }
0x22: {  	[dreg:$0x4] =	wrdreg $0xC0  }
0x23: {  	_ =	task [dreg:s7], $0x5FFFF  }
0x24: {  	[dreg:$0x1] =	wrdreg $0xFFFFFFFF  }
0x25: {  	[dreg:$0x0] =	wrdreg $0x60  }
0x26: {  	[dreg:$0x2] =	wrdreg s25  }
0x27: {  	[dreg:$0x3] =	wrdreg s2  }
0x28: {  	[dreg:$0x4] =	wrdreg $0x9  }
0x29: {  	_ =	task.clear_ibuf [dreg:s7], $0x5FFFF;
	_ =	strace $0x90000046  }
0x2a: {  	s29 =	simm.s32 $0x9;
	_ =	strace $0x80000048  }
0x2b: {  	_ =	swait.ge [sflag:s29], $0x1  }
0x2c: {  	[sflag:s29] =	ssyncadd.s32 $0xFFFFFFFF  }
0x2d: {  	_ =	strace $0x90000048  }
0x2e: {  	_ =	sfence  }
0x2f: {  	s30 =	sld [smem:$0x0];
	_ =	sdelay $0x2  }
0x30: {  	s31 =	sshll.u32 s1, $0xD;
	s1 =	sshrl.u32 s1, $0x2  }
0x31: {  	s3 =	sand.u32 $0x4000, s31;
	s1 =	sadd.s32 s1, s30  }
0x32: {  	s0 =	sor.u32 s3, s0;
	s1 =	sshll.u32 s1, $0x11  }
0x33: {  	s0 =	sor.u32 s1, s0  }
0x34: {  	s0 =	sadd.s32 $0x8F2B, s0  }
0x35: {  	[sflag:s0] =	ssyncadd.remote.s32 $0x1  }
0x36: {  	_ =	sfence.sel $0xFFFF  }
0x37: {  	[dreg:$0x0] =	wrdreg $0xFFFFFFFF;
	(pc) =	sbr.abs _section_cstart, $3  }
0x38: {  	[dreg:$0x1] =	wrdreg $0xFFFFFFFF  }
0x39: {  	_ =	task.clear_ibuf [dreg:s7], $0x2FFFF;
	_ =	strace $0x9FFFFFFF  }
0x3a: {  	(tm) =	ssettm $0x7FFFFFFF  }
0x3b: {  	_ =	shalt  }
tec
execute0_lowered:
.L_overlay_start_1:
0x0: {  	(tag) =	ssettag $0x1  }
0x1: {  	s0 =	srdreg.scid  }
0x2: {  	s1 =	sshll.u32 s0, $0x4  }
0x3: {  	s3 =	rddreg [dreg:$0x0];
	s0 =	stileid.u32;
	s1 =	sand.u32 $0x10, s1  }
0x4: {  	s5 =	simm.s32 $0x1;
	s31 =	simm.s32 $0x2;
	s1 =	sor.u32 s0, s1  }
0x5: {  	s15 =	simm.s32 $0x0;
	s8 =	simm.s32 $0x40000;
	s2 =	sshll.u32 s1, $0x3  }
0x6: {  	s9 =	simm.s32 $0x0;
	s16 =	simm.s32 $0x0;
	s1 =	ssub.s32 $0x200, s2  }
0x7: {  	s18 =	simm.s32 $0x0;
	s17 =	simm.s32 $0x0;
	s4 =	sand.u32 $0xF8, s1  }
0x8: {  	s10 =	simm.s32 $0x0;
	s11 =	simm.s32 $0x0;
	p0 =	sne.s32 s4, $0x0  }
.Ltmp0:
0x9: {  	s1 =	sshrl.u32 s1, $0x8;
	s5 =	simm.s32 @!p0 $0x0;
	(pc) =	sbr.rel .LBB1_1-.Ltmp0, $4  }
0xa: {  	s13 =	simm.s32 $0x0;
	s4 =	rddreg [dreg:$0x1];
	s1 =	sadd.s32 s5, s1  }
0xb: {  	_ =	strace $0x80000047;
	s5 =	simm.s32 $0x1;
	s6 =	smul.u32 $0x30, s1  }
0xc: {  	s14 =	simm.s32 $0x0;
	s24 =	simm.s32 $0x0;
	[sflag:s5] =	ssyncpa.u1 $0x0  }
0xd: {  	s12 =	smov.u32 s2;
	[sflag:s31] =	ssyncpa.u1 $0x0;
	s7 =	sor.u32 $0x1, s6  }
.LBB1_7:
0xe: {  	s1 =	sadd.s32 $0x100, s10  }
0xf: {  	s15 =	sadd.s32 $0x8, s11;
	s19 =	smov.u32 s11;
	p1 =	sgt.s32 s1, $0x1FF  }
0x10: {  	s19 =	smov.u32 @p1 s15  }
0x11: {  	s20 =	smov.u32 s12;
	s15 =	sadd.s32 $0x100, s12;
	p2 =	sgt.s32 s19, $0x7  }
0x12: {  	s20 =	smov.u32 @p2 s15  }
0x13: {  	s15 =	simm.s32 $0x1;
	p3 =	sgt.s32 s20, $0x1FF  }
0x14: {  	s15 =	simm.s32 @!p3 $0x0  }
0x15: {  	p0 =	slt.u32 s14, $0x2;
	s22 =	sadd.s32 s15, s13  }
0x16: {  	s16 =	smov.u32 s11;
	s1 =	simm.s32 @p1 $0x0;
	p1 =	sgt.s32 s22, $0x17  }
0x17: {  	s21 =	simm.s32 @!p0 $0x2;
	s22 =	simm.s32 @p1 $0x0;
	p1 =	sne.s32 s14, s7  }
.Ltmp1:
0x18: {  	s18 =	smov.u32 s12;
	_ =	swait.ge @!p0 [sflag:s21], $0x4000;
	(pc) =	sbr.rel @!p1 .LBB1_8-.Ltmp1, $4  }
0x19: {  	s17 =	smov.u32 s13;
	[sflag:s21] =	ssyncset.done @!p0 $0x0;
	s19 =	simm.s32 @p2 $0x0  }
0x1a: {  	s9 =	sadd.s32 $0x4000, s9;
	[sflag:s21] =	ssyncadd.s32 @!p0 $0xFFFFC000;
	s11 =	smov.u32 s19  }
0x1b: {  	s20 =	smov.u32 @p3 s2;
	s15 =	smov.u32 s10;
	s10 =	smov.u32 s1  }
0x1c: {  	s12 =	smov.u32 s20;
	s14 =	sadd.s32 $0x1, s14;
	s13 =	smov.u32 s22  }
.LBB1_1:
0x1d: {  	p0 =	sge.u32 s14, s6  }
0x1e: {  	s31 =	sadd.s32 $0xFFFFFFFF, s14;
	s1 =	sxor.u32 @!p0 $0xFFFFFFFF, s14;
	s19 =	sshll.u32 @!p0 s10, $0x3  }
0x1f: {  	s20 =	sshll.u32 @!p0 s11, $0x7;
	s21 =	sand.u32 @!p0 $0x78, s10;
	s22 =	sshll.u32 @!p0 s13, $0x12  }
0x20: {  	s23 =	sshll.u32 @!p0 s12, $0x9;
	s1 =	sshll.u32 @!p0 s1, $0xE;
	s20 =	sand.u32 @!p0 $0x380, s20  }
0x21: {  	s19 =	sand.u32 @!p0 $0xC00, s19;
	s1 =	sand.u32 @!p0 $0x4000, s1;
	s20 =	sor.u32 @!p0 s21, s20  }
0x22: {  	s21 =	sand.u32 @!p0 $0x7, s10;
	s19 =	sor.u32 @!p0 s19, s20;
	s20 =	sadd.s32 @!p0 s3, s22  }
0x23: {  	s21 =	sshll.u32 @!p0 s21, $0x12;
	s19 =	sshrl.u32 @!p0 s19, $0x3;
	s20 =	sadd.s32 @!p0 s23, s20  }
0x24: {  	s19 =	sadd.s32 @!p0 s19, s20;
	s20 =	sor.u32 @!p0 $0x800, s21;
	s21 =	simm.s32 @!p0 $0x1000  }
0x25: {  	[tilespmem:s1], [sflag:$0x1] =	stream.strided.gather @!p0 [hbm4b:s19+s20], $0x4000, s21, s20, $0x38;
	[tilespmem:$0x10000] =	vst v63  }
0x26: {  	p0 =	sge.u32 s31, s6  }
.Ltmp2:
0x27: {  	_ = 	snop;
	(pc) =	sbr.rel @p0 .LBB1_7-.Ltmp2, $1  }
0x28: {  	_ =	sdelay $0x3  }
0x29: {  	s1 =	sshll.u32 s9, $0x2;
	_ =	swait.ge [sflag:s5], $0x4000;
	s19 =	sshll.u32 s14, $0xE  }
0x2a: {  	p0 =	por $0x0, $0x0;
	s25 =	simm.s32 $0x0;
	s26 =	simm.s32 $0x0  }
0x2b: {  	s1 =	sand.u32 $0x10000, s1;
	[sflag:s5] =	ssyncset.done $0x0;
	s22 =	sand.u32 $0x4000, s19  }
0x2c: {  	s1 =	sshrl.u32 s1, $0x2;
	[sflag:s5] =	ssyncadd.s32 $0xFFFFC000;
	s19 =	sor.u32 $0x8000, s22  }
0x2d: {  	s20 =	sor.u32 $0x40, s1;
	s21 =	sor.u32 $0x8410, s1;
	s23 =	sadd.s32 $0x8400, s1  }
.LBB1_3:
0x2e: {  	v1 =	vld [tilespmem:s20+$0xFFFFFFD0]  }
0x2f: {  	v2 =	vld [tilespmem:s20+$0x430]  }
0x30: {  	s1 =	sshll.u32 s26, $0xB;
	v4 =	vld [tilespmem:s20+$0xFFFFFFE0]  }
0x31: {  	v7 =	vld [tilespmem:s20+$0xFFFFFFF0];
	v0 =	vmov s1  }
0x32: {  	v8 =	vld [tilespmem:s20+$0x0]  }
0x33: {  	v9 =	vld [tilespmem:s20+$0x10];
	s1 =	sand.u32 $0x300, s24  }
0x34: {  	s27 =	sand.u32 $0x80, s24;
	v10 =	vld [tilespmem:s20+$0x20];
	s1 =	sadd.s32 s1, s22  }
0x35: {  	v11 =	vld [tilespmem:s20+$0x30];
	s1 =	sadd.s32 s27, s1;
	s27 =	simm.s32 $0x1;
	[tilespmem:s21+$0x60] =	vst v2  }
0x36: {  	s27 =	simm.s32 @!p0 $0x0;
	[tilespmem:s21+$0xFFFFFC00] =	vst v1;
	v3 =	vld.idx.msk [tilespmem:v0+s1+$0x400 ss:$0x1], $0xffff;
	s1 =	sshll.u32 s25, $0x2  }
0x37: {  	v6 =	vld [tilespmem:s20+$0x3D0];
	s27 =	sshll.u32 s27, $0x9;
	[tilespmem:s21+$0xFFFFFC10] =	vst v4;
	s1 =	sand.u32 $0xFFFFFC00, s1  }
0x38: {  	v5 =	vld [tilespmem:s20+$0x3E0];
	[tilespmem:s21+$0xFFFFFC20] =	vst v7;
	s1 =	sor.u32 s27, s1  }
0x39: {  	[tilespmem:s21+$0xFFFFFC30] =	vst v8;
	v4 =	vld [tilespmem:s20+$0x400];
	s1 =	sshrl.u32 s1, $0x2  }
0x3a: {  	[tilespmem:s21+$0xFFFFFC40] =	vst v9;
	v1 =	vld [tilespmem:s20+$0x410];
	s27 =	sadd.s32 s1, s23  }
0x3b: {  	[tilespmem:s27+$0x0] =	vst v3;
	v3 =	vld [tilespmem:s20+$0x3F0]  }
0x3c: {  	s31 =	simm.s32 $0x80;
	s30 =	simm.s32 $0x100;
	[tilespmem:s21+$0xFFFFFC50] =	vst v10;
	v2 =	vld [tilespmem:s20+$0x420]  }
0x3d: {  	s28 =	sadd.s32 $0x80, s20;
	s29 =	smov.u32 s21;
	v7 =	vld [tilespmem:s20+$0xFFFFFFC0];
	[tilespmem:s21+$0xFFFFFC60] =	vst v11;
	s1 =	sand.u32 $0x300, s31  }
.LBB1_4:
0x3e: {  	p1 =	sne.s32 s30, $0x380;
	v8 =	vld [tilespmem:s28+$0xFFFFFFD0];
	s31 =	sand.u32 $0x80, s31;
	s1 =	sadd.s32 s1, s22;
	[tilespmem:s29+$0x0] =	vst v6  }
0x3f: {  	s1 =	sadd.s32 s31, s1;
	v6 =	vld [tilespmem:s28+$0x430];
	[tilespmem:s29+$0x10] =	vst v5;
	s31 =	smov.u32 s30  }
0x40: {  	v5 =	vld.idx.msk [tilespmem:v0+s1+$0x400 ss:$0x1], $0xffff;
	[tilespmem:s29+$0x20] =	vst v3  }
0x41: {  	v3 =	vld [tilespmem:s28+$0xFFFFFFE0];
	[tilespmem:s29+$0x30] =	vst v4  }
0x42: {  	v4 =	vld [tilespmem:s28+$0xFFFFFFF0];
	[tilespmem:s29+$0xFFFFFBF0] =	vst v7  }
0x43: {  	v7 =	vld [tilespmem:s28+$0x0];
	[tilespmem:s29+$0x40] =	vst v1  }
0x44: {  	v1 =	vld [tilespmem:s28+$0x10];
	[tilespmem:s29+$0x50] =	vst v2;
	s29 =	sadd.s32 $0x800, s29  }
0x45: {  	s27 =	sadd.s32 $0x800, s27;
	v2 =	vld [tilespmem:s28+$0x20];
	[tilespmem:s29+$0x60] =	vst v6  }
0x46: {  	v9 =	vld [tilespmem:s28+$0x30];
	[tilespmem:s27+$0x0] =	vst v5  }
0x47: {  	[tilespmem:s29+$0xFFFFFC00] =	vst v8;
	v6 =	vld [tilespmem:s28+$0x3D0]  }
0x48: {  	[tilespmem:s29+$0xFFFFFC10] =	vst v3;
	v5 =	vld [tilespmem:s28+$0x3E0]  }
.Ltmp3:
0x49: {  	[tilespmem:s29+$0xFFFFFC20] =	vst v4;
	v3 =	vld [tilespmem:s28+$0x3F0];
	(pc) =	sbr.rel @p1 .LBB1_4-.Ltmp3, $4  }
0x4a: {  	[tilespmem:s29+$0xFFFFFC30] =	vst v7;
	v4 =	vld [tilespmem:s28+$0x400]  }
0x4b: {  	[tilespmem:s29+$0xFFFFFC40] =	vst v1;
	v1 =	vld [tilespmem:s28+$0x410]  }
0x4c: {  	[tilespmem:s29+$0xFFFFFC50] =	vst v2;
	v2 =	vld [tilespmem:s28+$0x420]  }
0x4d: {  	s30 =	sadd.s32 $0x80, s30;
	s1 =	sand.u32 $0x300, s31;
	v7 =	vld [tilespmem:s28+$0xFFFFFFC0];
	[tilespmem:s29+$0xFFFFFC60] =	vst v9;
	s28 =	sadd.s32 $0x80, s28  }
0x4e: {  	[tilespmem:s29+$0x0] =	vst v6  }
0x4f: {  	[tilespmem:s29+$0x10] =	vst v5  }
0x50: {  	v49 =	vld [tilespmem:s28+$0x430];
	[tilespmem:s29+$0x20] =	vst v3  }
0x51: {  	v50 =	vld [tilespmem:s28+$0xFFFFFFD0];
	[tilespmem:s29+$0x30] =	vst v4  }
0x52: {  	v51 =	vld [tilespmem:s28+$0xFFFFFFE0];
	[tilespmem:s29+$0x40] =	vst v1  }
0x53: {  	v52 =	vld [tilespmem:s28+$0xFFFFFFF0];
	[tilespmem:s29+$0x50] =	vst v2  }
0x54: {  	s30 =	sand.u32 $0x80, s31;
	s31 =	sadd.s32 $0x800, s29;
	v53 =	vld [tilespmem:s28+$0x0];
	[tilespmem:s29+$0xFFFFFBF0] =	vst v7  }
0x55: {  	v54 =	vld [tilespmem:s28+$0x10];
	[tilespmem:s31+$0x60] =	vst v49  }
0x56: {  	v55 =	vld [tilespmem:s28+$0x20];
	[tilespmem:s31+$0xFFFFFC00] =	vst v50  }
0x57: {  	v56 =	vld [tilespmem:s28+$0x30];
	[tilespmem:s31+$0xFFFFFC10] =	vst v51  }
0x58: {  	v57 =	vld [tilespmem:s28+$0x3D0];
	[tilespmem:s31+$0xFFFFFC20] =	vst v52  }
0x59: {  	v58 =	vld [tilespmem:s28+$0x3E0];
	[tilespmem:s31+$0xFFFFFC30] =	vst v53  }
0x5a: {  	v59 =	vld [tilespmem:s28+$0x3F0];
	[tilespmem:s31+$0xFFFFFC40] =	vst v54  }
0x5b: {  	v60 =	vld [tilespmem:s28+$0x400];
	[tilespmem:s31+$0xFFFFFC50] =	vst v55  }
0x5c: {  	v61 =	vld [tilespmem:s28+$0xFFFFFFC0];
	[tilespmem:s31+$0xFFFFFC60] =	vst v56  }
0x5d: {  	s1 =	sadd.s32 s1, s22;
	v62 =	vld [tilespmem:s28+$0x410];
	[tilespmem:s31+$0x0] =	vst v57  }
0x5e: {  	v63 =	vld [tilespmem:s28+$0x420];
	s26 =	sadd.s32 $0x1, s26;
	s1 =	sadd.s32 s30, s1;
	[tilespmem:s31+$0x10] =	vst v58  }
0x5f: {  	p1 =	sne.s32 s26, $0x8;
	v0 =	vld.idx.msk [tilespmem:v0+s1+$0x400 ss:$0x1], $0xffff;
	[tilespmem:s31+$0x20] =	vst v59  }
.Ltmp4:
0x60: {  	[tilespmem:s31+$0x30] =	vst v60;
	(pc) =	sbr.rel @p1 .LBB1_3-.Ltmp4, $4  }
0x61: {  	[tilespmem:s31+$0xFFFFFBF0] =	vst v61  }
0x62: {  	[tilespmem:s31+$0x40] =	vst v62  }
0x63: {  	s27 =	sadd.s32 $0x800, s27;
	s20 =	sadd.s32 $0x800, s20;
	[tilespmem:s31+$0x50] =	vst v63  }
0x64: {  	s25 =	sadd.s32 $0x80, s25;
	p0 =	por !p0, !p0;
	s21 =	sadd.s32 $0x80, s21;
	[tilespmem:s27+$0x0] =	vst v0  }
0x65: {  	s1 =	sand.u32 $0x78, s15  }
0x66: {  	s20 =	sshll.u32 s18, $0x9;
	s21 =	sshll.u32 s15, $0x3;
	s27 =	sshll.u32 s18, $0x7  }
0x67: {  	s17 =	sshll.u32 s17, $0x12;
	s16 =	sshll.u32 s16, $0xF;
	s30 =	sand.u32 $0x7, s15  }
0x68: {  	s20 =	sand.u32 $0x3F000, s20;
	s21 =	sand.u32 $0x3FC00, s21;
	s28 =	sand.u32 $0x200, s27  }
0x69: {  	s18 =	sand.u32 $0x180, s27;
	s17 =	sadd.s32 s4, s17;
	s20 =	sadd.s32 s20, s21  }
.Ltmp5:
0x6a: {  	s1 =	sor.u32 s18, s1;
	s20 =	sor.u32 s28, s20;
	(pc) =	sbr.rel .LBB1_7-.Ltmp5, $4  }
0x6b: {  	s16 =	sadd.s32 s16, s17;
	s1 =	sshrl.u32 s1, $0x3;
	s29 =	sshrl.u32 s20, $0x3  }
0x6c: {  	s15 =	sshll.u32 s30, $0x12;
	s1 =	sadd.s32 s1, s16;
	s31 =	sand.u32 $0x7FC0, s29  }
0x6d: {  	s15 =	sor.u32 $0x800, s15;
	s1 =	sadd.s32 s31, s1  }
0x6e: {  	[hbm4b:s1+s15] =	stream.strided.scatter [tilespmem:s19], [sflag:$0x2], $0x4000, s8, s15, $0x38;
	[tilespmem:$0x10000] =	vst v63  }
.LBB1_8:
0x6f: {  	_ =	sfence.sel $0x180000  }
0x70: {  	s1 =	simm.s32 $0x1;
	[bflag:$0x0] =	sbarrier.arrive $0xFFFF  }
0x71: {  	s31 =	simm.s32 $0x2;
	[sflag:s1] =	ssyncpa.u1 $0x1  }
0x72: {  	[sflag:s31] =	ssyncpa.u1 $0x1  }
0x73: {  	_ =	strace $0x90000047  }
0x74: {  	[bflag:$0x2] =	sbarrier.arrive $0xFFFF  }
0x75: {  	p0 =	sne.s32 s0, $0x0;
	s0 =	rddreg [dreg:$0x2]  }
0x76: {  	s0 =	sadd.s32 @!p0 $0x100000, s0  }
0x77: {  	[sflag:s0] =	ssyncadd.tile.s32 @!p0 $0x1;
	_ =	shalt  }
.Lfunc_end1:
_tile_overlayer_lowered:
.L_overlay_start_2:
0x78: {  	(tag) =	ssettag $0x2  }
0x79: {  	s0 =	rddreg [dreg:$0x0];
	s2 =	stileid.u32  }
0x7a: {  	s1 =	rddreg [dreg:$0x1];
	p0 =	sne.s32 s2, $0x0  }
0x7b: {  	s3 =	rddreg [dreg:$0x2];
	[bflag:$0x3] =	sbarrier.arrive $0xFFFF;
	s2 =	simm.s32 @!p0 $0x1C01  }
0x7c: {  	[timem:s3], [sflag:s2] =	dma.local @!p0 [hbm:s0], s1  }
0x7d: {  	s0 =	simm.s32 @!p0 $0x1  }
0x7e: {  	_ =	swait.ge @!p0 [sflag:s0], s1  }
0x7f: {  	s1 =	ssub.s32 @!p0 $0x0, s1;
	[sflag:s0] =	ssyncset.done @!p0 $0x0  }
0x80: {  	[sflag:s0] =	ssyncadd.s32 @!p0 s1  }
0x81: {  	[bflag:$0x3] =	sbarrier.arrive $0xFFFF  }
0x82: {  	_ =	shalt  }

</sc_bundles>
